<compile_context>
chip_gen: v7x
topology: tpu7x:2x2x1
jax: 0.10.2.dev20260603
libtpu: 0.0.44.dev20260713+nightly
codegen_flags: <defaults>
</compile_context>

<pallas_src>
import functools

import jax
import jax.numpy as jnp
from jax import lax
from jax.experimental import pallas as pl
from jax.experimental.pallas import tpu as pltpu
from jax.experimental.pallas import tpu_sc as plsc

VOCAB = 100000
CTX = 32
EMBED = 7
HIDDEN = 64
BATCH = 1024
EPAD = 16
CHUNK = 128
BT = 16
NB = BATCH // BT


@functools.lru_cache(maxsize=None)
def _make_gather():
    nc, ns = 2, 16
    nw = nc * ns
    total = BATCH * CTX
    rows_per_w = total // nw
    n_chunks = rows_per_w // CHUNK
    mesh = plsc.VectorSubcoreMesh(
        core_axis_name="c", subcore_axis_name="s", num_cores=nc, num_subcores=ns
    )

    @functools.partial(
        pl.kernel,
        mesh=mesh,
        compiler_params=pltpu.CompilerParams(use_tc_tiling_on_sc=False),
        out_type=jax.ShapeDtypeStruct((total, EPAD), jnp.float32),
        scratch_types=[
            pltpu.VMEM((n_chunks, CHUNK), jnp.int32),
            pltpu.VMEM((rows_per_w, EPAD), jnp.float32),
            pltpu.SemaphoreType.DMA,
        ],
    )
    def gather_k(idx_hbm, table_hbm, out_hbm, idx_v, rows_v, sem):
        wid = lax.axis_index("s") * nc + lax.axis_index("c")
        pltpu.sync_copy(idx_hbm.at[pl.ds(wid * n_chunks, n_chunks)], idx_v)
        copies = [
            pltpu.async_copy(
                table_hbm.at[idx_v.at[j]],
                rows_v.at[pl.ds(j * CHUNK, CHUNK)],
                sem,
            )
            for j in range(n_chunks)
        ]
        for c in copies:
            c.wait()
        pltpu.sync_copy(rows_v, out_hbm.at[pl.ds(wid * rows_per_w, rows_per_w)])

    return gather_k


def _fc1_body(e_ref, w1_ref, b1_ref, h_ref):
    h = lax.dot_general(
        e_ref[...], w1_ref[...], (((1,), (1,)), ((), ())),
        preferred_element_type=jnp.float32,
    )
    h_ref[...] = jnp.maximum(h + b1_ref[...], 0.0)


_fc1 = pl.pallas_call(
    _fc1_body,
    out_shape=jax.ShapeDtypeStruct((BATCH, HIDDEN), jnp.float32),
)


RING = 2


def _fc2_body(
    h_ref, w2_hbm, b2_hbm, out_hbm, w2_v, b2_v, r0, r1, sem, sem2, s0, s1
):
    j = pl.program_id(0)
    rings = [r0, r1]
    sems = [s0, s1]
    slot = lax.rem(j, RING)

    @pl.when(j == 0)
    def _():
        w2_cp = pltpu.make_async_copy(w2_hbm, w2_v, sem)
        b2_cp = pltpu.make_async_copy(b2_hbm, b2_v, sem2)
        w2_cp.start()
        b2_cp.start()
        w2_cp.wait()
        b2_cp.wait()

    for s in range(RING):
        @pl.when(slot == s)
        def _(s=s):
            buf, osem = rings[s], sems[s]

            @pl.when(j >= RING)
            def _():
                pltpu.make_async_copy(
                    buf, out_hbm.at[pl.ds((j - RING) * BT, BT), :], osem
                ).wait()

            buf[...] = (
                lax.dot_general(
                    h_ref[...].astype(jnp.bfloat16), w2_v[...],
                    (((1,), (1,)), ((), ())),
                    preferred_element_type=jnp.float32,
                )
                + b2_v[...]
            )
            pltpu.make_async_copy(
                buf, out_hbm.at[pl.ds(j * BT, BT), :], osem
            ).start()

    @pl.when(j == NB - 1)
    def _():
        for k in range(RING):
            step = NB - RING + k
            pltpu.make_async_copy(
                rings[step % RING],
                out_hbm.at[pl.ds(step * BT, BT), :],
                sems[step % RING],
            ).wait()


_fc2 = pl.pallas_call(
    _fc2_body,
    grid=(NB,),
    in_specs=[
        pl.BlockSpec((BT, HIDDEN), lambda j: (j, 0)),
        pl.BlockSpec(memory_space=pl.ANY),
        pl.BlockSpec(memory_space=pl.ANY),
    ],
    out_specs=pl.BlockSpec(memory_space=pl.ANY),
    out_shape=jax.ShapeDtypeStruct((BATCH, VOCAB), jnp.float32),
    scratch_shapes=[
        pltpu.VMEM((VOCAB, HIDDEN), jnp.bfloat16),
        pltpu.VMEM((1, VOCAB), jnp.float32),
        pltpu.VMEM((BT, VOCAB), jnp.float32),
        pltpu.VMEM((BT, VOCAB), jnp.float32),
        pltpu.SemaphoreType.DMA,
        pltpu.SemaphoreType.DMA,
        pltpu.SemaphoreType.DMA,
        pltpu.SemaphoreType.DMA,
    ],
    compiler_params=pltpu.CompilerParams(
        dimension_semantics=("arbitrary",),
        vmem_limit_bytes=60 * 1024 * 1024,
    ),
)


def kernel(x, embed, W1, b1, W2, b2):
    table = jnp.pad(embed, ((0, 0), (0, EPAD - EMBED)))
    idx = x.reshape(-1, CHUNK).astype(jnp.int32)
    e = _make_gather()(idx, table)
    e2 = e.reshape(BATCH, CTX * EPAD)
    w1p = jnp.pad(
        W1.reshape(HIDDEN, CTX, EMBED), ((0, 0), (0, 0), (0, EPAD - EMBED))
    ).reshape(HIDDEN, CTX * EPAD)
    h = _fc1(e2, w1p, b1.reshape(1, HIDDEN))
    return _fc2(h, W2.astype(jnp.bfloat16), b2.reshape(1, VOCAB))

# --- scband reference (transcript-rebuilt; emitter-appended) ---
"""Pipeline reference for scband-my-nn-78039555768430 (READ-ONLY COPY).

The authoritative reference and input builder live on the scoring server;
editing this copy changes nothing except your own understanding.
"""

import jax, jax.numpy as jnp
import numpy as np

VOCAB = 100000
CTX = 32
EMBED = 7
HIDDEN = 64
BATCH = 1024


def setup_inputs(seed: int = 0) -> dict:
    key = jax.random.key(seed)
    k1, k2, k3, k4, k5, k6 = jax.random.split(key, 6)
    x = jax.random.randint(k1, (BATCH, CTX), 0, VOCAB, dtype=jnp.int64 if jax.config.jax_enable_x64 else jnp.int32)
    embed = jax.random.normal(k2, (VOCAB, EMBED), dtype=jnp.float32)
    W1 = jax.random.normal(k3, (HIDDEN, EMBED * CTX), dtype=jnp.float32) * (1.0 / np.sqrt(EMBED * CTX))
    b1 = jax.random.normal(k4, (HIDDEN,), dtype=jnp.float32) * 0.01
    W2 = jax.random.normal(k5, (VOCAB, HIDDEN), dtype=jnp.float32) * (1.0 / np.sqrt(HIDDEN))
    b2 = jax.random.normal(k6, (VOCAB,), dtype=jnp.float32) * 0.01
    return {"x": x, "embed": embed, "W1": W1, "b1": b1, "W2": W2, "b2": b2}


def reference(x, embed, W1, b1, W2, b2):
    # nn.Embedding lookup -> gather
    e = jnp.take(embed, x, axis=0)               # [B, CTX, EMBED]
    h = e.reshape(e.shape[0], -1)                 # [B, CTX*EMBED]
    h = h @ W1.T + b1                             # fc1
    h = jax.nn.relu(h)                            # ReLU
    out = h @ W2.T + b2                           # fc2 -> [B, VOCAB]
    return out

if __name__ == "__main__":
    import jax
    _d = setup_inputs()
    print(jax.jit(kernel)(*tuple(_d.values())))

</pallas_src>

<mosaic_0001>
#map = affine_map<(d0, d1) -> (0, 0)>
module attributes {stable_mosaic.version = 14 : i64} {
  func.func @gather_k(%arg0: i32, %arg1: i32, %arg2: memref<256x128xi32, #tpu.memory_space<hbm>>, %arg3: memref<100000x16xf32, #tpu.memory_space<hbm>>, %arg4: memref<32768x16xf32, #tpu.memory_space<hbm>>, %arg5: memref<8x128xi32, #tpu.memory_space<vmem>>, %arg6: memref<1024x16xf32, #tpu.memory_space<vmem>>, %arg7: memref<!tpu.dma_semaphore, #tpu.memory_space<semaphore_mem>>) attributes {dimension_semantics = [#tpu.dimension_semantics<core_parallel>, #tpu.dimension_semantics<subcore_parallel>], iteration_bounds = array<i64: 2, 16>, scalar_prefetch = 0 : i64, scratch_operands = 3 : i64, tpu.core_type = #tpu.core_type<sc_vector_subcore>, window_params = [{transform_indices = #map}, {transform_indices = #map}, {transform_indices = #map}]} {
    %mul3A = arith.constant 2 : i32
    %mul3A_0 = arith.muli %arg1, %mul3A : i32
    %add3A = arith.addi %mul3A_0, %arg0 : i32
    %mul3A_1 = arith.constant 8 : i32
    %mul3A_2 = arith.muli %add3A, %mul3A_1 : i32
    "tpu.region"() ({
      %run_scoped3A = tpu.sem_alloc : memref<!tpu.dma_semaphore, #tpu.memory_space<semaphore_mem>>
      %dma_start3A_163 = arith.constant 0 : i32
      %dma_start3A_164 = tpu.memref_slice %arg2[%mul3A_2, %dma_start3A_163] : memref<256x128xi32, #tpu.memory_space<hbm>> -> memref<8x128xi32, #tpu.memory_space<hbm>>
      %dma_start3A_165 = arith.constant 0 : i32
      %dma_start3A_166 = tpu.memref_slice %arg2[%mul3A_2, %dma_start3A_165] : memref<256x128xi32, #tpu.memory_space<hbm>> -> memref<8x128xi32, #tpu.memory_space<hbm>>
      tpu.enqueue_dma source(%dma_start3A_166 : memref<8x128xi32, #tpu.memory_space<hbm>>) target(%arg5 : memref<8x128xi32, #tpu.memory_space<vmem>>) target_semaphore(%run_scoped3A : memref<!tpu.dma_semaphore, #tpu.memory_space<semaphore_mem>>)
      %dma_wait3A_167 = arith.constant 0 : i32
      %dma_wait3A_168 = tpu.memref_slice %arg2[%mul3A_2, %dma_wait3A_167] : memref<256x128xi32, #tpu.memory_space<hbm>> -> memref<8x128xi32, #tpu.memory_space<hbm>>
      %dma_wait3A_169 = arith.constant 0 : i32
      %dma_wait3A_170 = tpu.memref_slice %arg2[%mul3A_2, %dma_wait3A_169] : memref<256x128xi32, #tpu.memory_space<hbm>> -> memref<8x128xi32, #tpu.memory_space<hbm>>
      tpu.wait_dma2 semaphore(%run_scoped3A : memref<!tpu.dma_semaphore, #tpu.memory_space<semaphore_mem>>) src(%dma_wait3A_170 : memref<8x128xi32, #tpu.memory_space<hbm>>) dst(%arg5 : memref<8x128xi32, #tpu.memory_space<vmem>>)
      tpu.yield
    }) : () -> ()
    %dma_start3A = arith.constant 0 : i32
    %dma_start3A_3 = arith.constant 0 : i32
    %dma_start3A_4 = arith.constant 0 : i32
    %dma_start3A_5 = tpu.memref_slice %arg6[%dma_start3A_3, %dma_start3A_4] : memref<1024x16xf32, #tpu.memory_space<vmem>> -> memref<128x16xf32, #tpu.memory_space<vmem>>
    %dma_start3A_6 = arith.constant 0 : i32
    %dma_start3A_7 = tpu.memref_slice %arg5[%dma_start3A, %dma_start3A_6] : memref<8x128xi32, #tpu.memory_space<vmem>> -> memref<1x128xi32, #tpu.memory_space<vmem>>
    %dma_start3A_8 = tpu.memref_squeeze %dma_start3A_7 : memref<1x128xi32, #tpu.memory_space<vmem>> -> memref<128xi32, #tpu.memory_space<vmem>>
    %dma_start3A_9 = arith.constant 0 : i32
    %dma_start3A_10 = arith.constant 0 : i32
    %dma_start3A_11 = tpu.memref_slice %arg3[%dma_start3A_9, %dma_start3A_10] : memref<100000x16xf32, #tpu.memory_space<hbm>> -> memref<100000x16xf32, #tpu.memory_space<hbm>>
    tpu.enqueue_indirect_dma source(%dma_start3A_11 : memref<100000x16xf32, #tpu.memory_space<hbm>>) target(%dma_start3A_5 : memref<128x16xf32, #tpu.memory_space<vmem>>) offsets(%dma_start3A_8 : memref<128xi32, #tpu.memory_space<vmem>>) semaphore(%arg7 : memref<!tpu.dma_semaphore, #tpu.memory_space<semaphore_mem>>)
    %dma_start3A_12 = arith.constant 1 : i32
    %dma_start3A_13 = arith.constant 128 : i32
    %dma_start3A_14 = arith.constant 0 : i32
    %dma_start3A_15 = tpu.memref_slice %arg6[%dma_start3A_13, %dma_start3A_14] : memref<1024x16xf32, #tpu.memory_space<vmem>> -> memref<128x16xf32, #tpu.memory_space<vmem>>
    %dma_start3A_16 = arith.constant 0 : i32
    %dma_start3A_17 = tpu.memref_slice %arg5[%dma_start3A_12, %dma_start3A_16] : memref<8x128xi32, #tpu.memory_space<vmem>> -> memref<1x128xi32, #tpu.memory_space<vmem>>
    %dma_start3A_18 = tpu.memref_squeeze %dma_start3A_17 : memref<1x128xi32, #tpu.memory_space<vmem>> -> memref<128xi32, #tpu.memory_space<vmem>>
    %dma_start3A_19 = arith.constant 0 : i32
    %dma_start3A_20 = arith.constant 0 : i32
    %dma_start3A_21 = tpu.memref_slice %arg3[%dma_start3A_19, %dma_start3A_20] : memref<100000x16xf32, #tpu.memory_space<hbm>> -> memref<100000x16xf32, #tpu.memory_space<hbm>>
    tpu.enqueue_indirect_dma source(%dma_start3A_21 : memref<100000x16xf32, #tpu.memory_space<hbm>>) target(%dma_start3A_15 : memref<128x16xf32, #tpu.memory_space<vmem>>) offsets(%dma_start3A_18 : memref<128xi32, #tpu.memory_space<vmem>>) semaphore(%arg7 : memref<!tpu.dma_semaphore, #tpu.memory_space<semaphore_mem>>)
    %dma_start3A_22 = arith.constant 2 : i32
    %dma_start3A_23 = arith.constant 256 : i32
    %dma_start3A_24 = arith.constant 0 : i32
    %dma_start3A_25 = tpu.memref_slice %arg6[%dma_start3A_23, %dma_start3A_24] : memref<1024x16xf32, #tpu.memory_space<vmem>> -> memref<128x16xf32, #tpu.memory_space<vmem>>
    %dma_start3A_26 = arith.constant 0 : i32
    %dma_start3A_27 = tpu.memref_slice %arg5[%dma_start3A_22, %dma_start3A_26] : memref<8x128xi32, #tpu.memory_space<vmem>> -> memref<1x128xi32, #tpu.memory_space<vmem>>
    %dma_start3A_28 = tpu.memref_squeeze %dma_start3A_27 : memref<1x128xi32, #tpu.memory_space<vmem>> -> memref<128xi32, #tpu.memory_space<vmem>>
    %dma_start3A_29 = arith.constant 0 : i32
    %dma_start3A_30 = arith.constant 0 : i32
    %dma_start3A_31 = tpu.memref_slice %arg3[%dma_start3A_29, %dma_start3A_30] : memref<100000x16xf32, #tpu.memory_space<hbm>> -> memref<100000x16xf32, #tpu.memory_space<hbm>>
    tpu.enqueue_indirect_dma source(%dma_start3A_31 : memref<100000x16xf32, #tpu.memory_space<hbm>>) target(%dma_start3A_25 : memref<128x16xf32, #tpu.memory_space<vmem>>) offsets(%dma_start3A_28 : memref<128xi32, #tpu.memory_space<vmem>>) semaphore(%arg7 : memref<!tpu.dma_semaphore, #tpu.memory_space<semaphore_mem>>)
    %dma_start3A_32 = arith.constant 3 : i32
    %dma_start3A_33 = arith.constant 384 : i32
    %dma_start3A_34 = arith.constant 0 : i32
    %dma_start3A_35 = tpu.memref_slice %arg6[%dma_start3A_33, %dma_start3A_34] : memref<1024x16xf32, #tpu.memory_space<vmem>> -> memref<128x16xf32, #tpu.memory_space<vmem>>
    %dma_start3A_36 = arith.constant 0 : i32
    %dma_start3A_37 = tpu.memref_slice %arg5[%dma_start3A_32, %dma_start3A_36] : memref<8x128xi32, #tpu.memory_space<vmem>> -> memref<1x128xi32, #tpu.memory_space<vmem>>
    %dma_start3A_38 = tpu.memref_squeeze %dma_start3A_37 : memref<1x128xi32, #tpu.memory_space<vmem>> -> memref<128xi32, #tpu.memory_space<vmem>>
    %dma_start3A_39 = arith.constant 0 : i32
    %dma_start3A_40 = arith.constant 0 : i32
    %dma_start3A_41 = tpu.memref_slice %arg3[%dma_start3A_39, %dma_start3A_40] : memref<100000x16xf32, #tpu.memory_space<hbm>> -> memref<100000x16xf32, #tpu.memory_space<hbm>>
    tpu.enqueue_indirect_dma source(%dma_start3A_41 : memref<100000x16xf32, #tpu.memory_space<hbm>>) target(%dma_start3A_35 : memref<128x16xf32, #tpu.memory_space<vmem>>) offsets(%dma_start3A_38 : memref<128xi32, #tpu.memory_space<vmem>>) semaphore(%arg7 : memref<!tpu.dma_semaphore, #tpu.memory_space<semaphore_mem>>)
    %dma_start3A_42 = arith.constant 4 : i32
    %dma_start3A_43 = arith.constant 512 : i32
    %dma_start3A_44 = arith.constant 0 : i32
    %dma_start3A_45 = tpu.memref_slice %arg6[%dma_start3A_43, %dma_start3A_44] : memref<1024x16xf32, #tpu.memory_space<vmem>> -> memref<128x16xf32, #tpu.memory_space<vmem>>
    %dma_start3A_46 = arith.constant 0 : i32
    %dma_start3A_47 = tpu.memref_slice %arg5[%dma_start3A_42, %dma_start3A_46] : memref<8x128xi32, #tpu.memory_space<vmem>> -> memref<1x128xi32, #tpu.memory_space<vmem>>
    %dma_start3A_48 = tpu.memref_squeeze %dma_start3A_47 : memref<1x128xi32, #tpu.memory_space<vmem>> -> memref<128xi32, #tpu.memory_space<vmem>>
    %dma_start3A_49 = arith.constant 0 : i32
    %dma_start3A_50 = arith.constant 0 : i32
    %dma_start3A_51 = tpu.memref_slice %arg3[%dma_start3A_49, %dma_start3A_50] : memref<100000x16xf32, #tpu.memory_space<hbm>> -> memref<100000x16xf32, #tpu.memory_space<hbm>>
    tpu.enqueue_indirect_dma source(%dma_start3A_51 : memref<100000x16xf32, #tpu.memory_space<hbm>>) target(%dma_start3A_45 : memref<128x16xf32, #tpu.memory_space<vmem>>) offsets(%dma_start3A_48 : memref<128xi32, #tpu.memory_space<vmem>>) semaphore(%arg7 : memref<!tpu.dma_semaphore, #tpu.memory_space<semaphore_mem>>)
    %dma_start3A_52 = arith.constant 5 : i32
    %dma_start3A_53 = arith.constant 640 : i32
    %dma_start3A_54 = arith.constant 0 : i32
    %dma_start3A_55 = tpu.memref_slice %arg6[%dma_start3A_53, %dma_start3A_54] : memref<1024x16xf32, #tpu.memory_space<vmem>> -> memref<128x16xf32, #tpu.memory_space<vmem>>
    %dma_start3A_56 = arith.constant 0 : i32
    %dma_start3A_57 = tpu.memref_slice %arg5[%dma_start3A_52, %dma_start3A_56] : memref<8x128xi32, #tpu.memory_space<vmem>> -> memref<1x128xi32, #tpu.memory_space<vmem>>
    %dma_start3A_58 = tpu.memref_squeeze %dma_start3A_57 : memref<1x128xi32, #tpu.memory_space<vmem>> -> memref<128xi32, #tpu.memory_space<vmem>>
    %dma_start3A_59 = arith.constant 0 : i32
    %dma_start3A_60 = arith.constant 0 : i32
    %dma_start3A_61 = tpu.memref_slice %arg3[%dma_start3A_59, %dma_start3A_60] : memref<100000x16xf32, #tpu.memory_space<hbm>> -> memref<100000x16xf32, #tpu.memory_space<hbm>>
    tpu.enqueue_indirect_dma source(%dma_start3A_61 : memref<100000x16xf32, #tpu.memory_space<hbm>>) target(%dma_start3A_55 : memref<128x16xf32, #tpu.memory_space<vmem>>) offsets(%dma_start3A_58 : memref<128xi32, #tpu.memory_space<vmem>>) semaphore(%arg7 : memref<!tpu.dma_semaphore, #tpu.memory_space<semaphore_mem>>)
    %dma_start3A_62 = arith.constant 6 : i32
    %dma_start3A_63 = arith.constant 768 : i32
    %dma_start3A_64 = arith.constant 0 : i32
    %dma_start3A_65 = tpu.memref_slice %arg6[%dma_start3A_63, %dma_start3A_64] : memref<1024x16xf32, #tpu.memory_space<vmem>> -> memref<128x16xf32, #tpu.memory_space<vmem>>
    %dma_start3A_66 = arith.constant 0 : i32
    %dma_start3A_67 = tpu.memref_slice %arg5[%dma_start3A_62, %dma_start3A_66] : memref<8x128xi32, #tpu.memory_space<vmem>> -> memref<1x128xi32, #tpu.memory_space<vmem>>
    %dma_start3A_68 = tpu.memref_squeeze %dma_start3A_67 : memref<1x128xi32, #tpu.memory_space<vmem>> -> memref<128xi32, #tpu.memory_space<vmem>>
    %dma_start3A_69 = arith.constant 0 : i32
    %dma_start3A_70 = arith.constant 0 : i32
    %dma_start3A_71 = tpu.memref_slice %arg3[%dma_start3A_69, %dma_start3A_70] : memref<100000x16xf32, #tpu.memory_space<hbm>> -> memref<100000x16xf32, #tpu.memory_space<hbm>>
    tpu.enqueue_indirect_dma source(%dma_start3A_71 : memref<100000x16xf32, #tpu.memory_space<hbm>>) target(%dma_start3A_65 : memref<128x16xf32, #tpu.memory_space<vmem>>) offsets(%dma_start3A_68 : memref<128xi32, #tpu.memory_space<vmem>>) semaphore(%arg7 : memref<!tpu.dma_semaphore, #tpu.memory_space<semaphore_mem>>)
    %dma_start3A_72 = arith.constant 7 : i32
    %dma_start3A_73 = arith.constant 896 : i32
    %dma_start3A_74 = arith.constant 0 : i32
    %dma_start3A_75 = tpu.memref_slice %arg6[%dma_start3A_73, %dma_start3A_74] : memref<1024x16xf32, #tpu.memory_space<vmem>> -> memref<128x16xf32, #tpu.memory_space<vmem>>
    %dma_start3A_76 = arith.constant 0 : i32
    %dma_start3A_77 = tpu.memref_slice %arg5[%dma_start3A_72, %dma_start3A_76] : memref<8x128xi32, #tpu.memory_space<vmem>> -> memref<1x128xi32, #tpu.memory_space<vmem>>
    %dma_start3A_78 = tpu.memref_squeeze %dma_start3A_77 : memref<1x128xi32, #tpu.memory_space<vmem>> -> memref<128xi32, #tpu.memory_space<vmem>>
    %dma_start3A_79 = arith.constant 0 : i32
    %dma_start3A_80 = arith.constant 0 : i32
    %dma_start3A_81 = tpu.memref_slice %arg3[%dma_start3A_79, %dma_start3A_80] : memref<100000x16xf32, #tpu.memory_space<hbm>> -> memref<100000x16xf32, #tpu.memory_space<hbm>>
    tpu.enqueue_indirect_dma source(%dma_start3A_81 : memref<100000x16xf32, #tpu.memory_space<hbm>>) target(%dma_start3A_75 : memref<128x16xf32, #tpu.memory_space<vmem>>) offsets(%dma_start3A_78 : memref<128xi32, #tpu.memory_space<vmem>>) semaphore(%arg7 : memref<!tpu.dma_semaphore, #tpu.memory_space<semaphore_mem>>)
    %dma_wait3A = arith.constant 0 : i32
    %dma_wait3A_82 = arith.constant 0 : i32
    %dma_wait3A_83 = arith.constant 0 : i32
    %dma_wait3A_84 = tpu.memref_slice %arg6[%dma_wait3A_82, %dma_wait3A_83] : memref<1024x16xf32, #tpu.memory_space<vmem>> -> memref<128x16xf32, #tpu.memory_space<vmem>>
    %dma_wait3A_85 = arith.constant 0 : i32
    %dma_wait3A_86 = tpu.memref_slice %arg5[%dma_wait3A, %dma_wait3A_85] : memref<8x128xi32, #tpu.memory_space<vmem>> -> memref<1x128xi32, #tpu.memory_space<vmem>>
    %dma_wait3A_87 = tpu.memref_squeeze %dma_wait3A_86 : memref<1x128xi32, #tpu.memory_space<vmem>> -> memref<128xi32, #tpu.memory_space<vmem>>
    %dma_wait3A_88 = arith.constant 0 : i32
    %dma_wait3A_89 = arith.constant 0 : i32
    %dma_wait3A_90 = tpu.memref_slice %arg3[%dma_wait3A_88, %dma_wait3A_89] : memref<100000x16xf32, #tpu.memory_space<hbm>> -> memref<100000x16xf32, #tpu.memory_space<hbm>>
    tpu.wait_indirect_dma semaphore(%arg7 : memref<!tpu.dma_semaphore, #tpu.memory_space<semaphore_mem>>) src(%dma_wait3A_90 : memref<100000x16xf32, #tpu.memory_space<hbm>>) dst(%dma_wait3A_84 : memref<128x16xf32, #tpu.memory_space<vmem>>)
    %dma_wait3A_91 = arith.constant 1 : i32
    %dma_wait3A_92 = arith.constant 128 : i32
    %dma_wait3A_93 = arith.constant 0 : i32
    %dma_wait3A_94 = tpu.memref_slice %arg6[%dma_wait3A_92, %dma_wait3A_93] : memref<1024x16xf32, #tpu.memory_space<vmem>> -> memref<128x16xf32, #tpu.memory_space<vmem>>
    %dma_wait3A_95 = arith.constant 0 : i32
    %dma_wait3A_96 = tpu.memref_slice %arg5[%dma_wait3A_91, %dma_wait3A_95] : memref<8x128xi32, #tpu.memory_space<vmem>> -> memref<1x128xi32, #tpu.memory_space<vmem>>
    %dma_wait3A_97 = tpu.memref_squeeze %dma_wait3A_96 : memref<1x128xi32, #tpu.memory_space<vmem>> -> memref<128xi32, #tpu.memory_space<vmem>>
    %dma_wait3A_98 = arith.constant 0 : i32
    %dma_wait3A_99 = arith.constant 0 : i32
    %dma_wait3A_100 = tpu.memref_slice %arg3[%dma_wait3A_98, %dma_wait3A_99] : memref<100000x16xf32, #tpu.memory_space<hbm>> -> memref<100000x16xf32, #tpu.memory_space<hbm>>
    tpu.wait_indirect_dma semaphore(%arg7 : memref<!tpu.dma_semaphore, #tpu.memory_space<semaphore_mem>>) src(%dma_wait3A_100 : memref<100000x16xf32, #tpu.memory_space<hbm>>) dst(%dma_wait3A_94 : memref<128x16xf32, #tpu.memory_space<vmem>>)
    %dma_wait3A_101 = arith.constant 2 : i32
    %dma_wait3A_102 = arith.constant 256 : i32
    %dma_wait3A_103 = arith.constant 0 : i32
    %dma_wait3A_104 = tpu.memref_slice %arg6[%dma_wait3A_102, %dma_wait3A_103] : memref<1024x16xf32, #tpu.memory_space<vmem>> -> memref<128x16xf32, #tpu.memory_space<vmem>>
    %dma_wait3A_105 = arith.constant 0 : i32
    %dma_wait3A_106 = tpu.memref_slice %arg5[%dma_wait3A_101, %dma_wait3A_105] : memref<8x128xi32, #tpu.memory_space<vmem>> -> memref<1x128xi32, #tpu.memory_space<vmem>>
    %dma_wait3A_107 = tpu.memref_squeeze %dma_wait3A_106 : memref<1x128xi32, #tpu.memory_space<vmem>> -> memref<128xi32, #tpu.memory_space<vmem>>
    %dma_wait3A_108 = arith.constant 0 : i32
    %dma_wait3A_109 = arith.constant 0 : i32
    %dma_wait3A_110 = tpu.memref_slice %arg3[%dma_wait3A_108, %dma_wait3A_109] : memref<100000x16xf32, #tpu.memory_space<hbm>> -> memref<100000x16xf32, #tpu.memory_space<hbm>>
    tpu.wait_indirect_dma semaphore(%arg7 : memref<!tpu.dma_semaphore, #tpu.memory_space<semaphore_mem>>) src(%dma_wait3A_110 : memref<100000x16xf32, #tpu.memory_space<hbm>>) dst(%dma_wait3A_104 : memref<128x16xf32, #tpu.memory_space<vmem>>)
    %dma_wait3A_111 = arith.constant 3 : i32
    %dma_wait3A_112 = arith.constant 384 : i32
    %dma_wait3A_113 = arith.constant 0 : i32
    %dma_wait3A_114 = tpu.memref_slice %arg6[%dma_wait3A_112, %dma_wait3A_113] : memref<1024x16xf32, #tpu.memory_space<vmem>> -> memref<128x16xf32, #tpu.memory_space<vmem>>
    %dma_wait3A_115 = arith.constant 0 : i32
    %dma_wait3A_116 = tpu.memref_slice %arg5[%dma_wait3A_111, %dma_wait3A_115] : memref<8x128xi32, #tpu.memory_space<vmem>> -> memref<1x128xi32, #tpu.memory_space<vmem>>
    %dma_wait3A_117 = tpu.memref_squeeze %dma_wait3A_116 : memref<1x128xi32, #tpu.memory_space<vmem>> -> memref<128xi32, #tpu.memory_space<vmem>>
    %dma_wait3A_118 = arith.constant 0 : i32
    %dma_wait3A_119 = arith.constant 0 : i32
    %dma_wait3A_120 = tpu.memref_slice %arg3[%dma_wait3A_118, %dma_wait3A_119] : memref<100000x16xf32, #tpu.memory_space<hbm>> -> memref<100000x16xf32, #tpu.memory_space<hbm>>
    tpu.wait_indirect_dma semaphore(%arg7 : memref<!tpu.dma_semaphore, #tpu.memory_space<semaphore_mem>>) src(%dma_wait3A_120 : memref<100000x16xf32, #tpu.memory_space<hbm>>) dst(%dma_wait3A_114 : memref<128x16xf32, #tpu.memory_space<vmem>>)
    %dma_wait3A_121 = arith.constant 4 : i32
    %dma_wait3A_122 = arith.constant 512 : i32
    %dma_wait3A_123 = arith.constant 0 : i32
    %dma_wait3A_124 = tpu.memref_slice %arg6[%dma_wait3A_122, %dma_wait3A_123] : memref<1024x16xf32, #tpu.memory_space<vmem>> -> memref<128x16xf32, #tpu.memory_space<vmem>>
    %dma_wait3A_125 = arith.constant 0 : i32
    %dma_wait3A_126 = tpu.memref_slice %arg5[%dma_wait3A_121, %dma_wait3A_125] : memref<8x128xi32, #tpu.memory_space<vmem>> -> memref<1x128xi32, #tpu.memory_space<vmem>>
    %dma_wait3A_127 = tpu.memref_squeeze %dma_wait3A_126 : memref<1x128xi32, #tpu.memory_space<vmem>> -> memref<128xi32, #tpu.memory_space<vmem>>
    %dma_wait3A_128 = arith.constant 0 : i32
    %dma_wait3A_129 = arith.constant 0 : i32
    %dma_wait3A_130 = tpu.memref_slice %arg3[%dma_wait3A_128, %dma_wait3A_129] : memref<100000x16xf32, #tpu.memory_space<hbm>> -> memref<100000x16xf32, #tpu.memory_space<hbm>>
    tpu.wait_indirect_dma semaphore(%arg7 : memref<!tpu.dma_semaphore, #tpu.memory_space<semaphore_mem>>) src(%dma_wait3A_130 : memref<100000x16xf32, #tpu.memory_space<hbm>>) dst(%dma_wait3A_124 : memref<128x16xf32, #tpu.memory_space<vmem>>)
    %dma_wait3A_131 = arith.constant 5 : i32
    %dma_wait3A_132 = arith.constant 640 : i32
    %dma_wait3A_133 = arith.constant 0 : i32
    %dma_wait3A_134 = tpu.memref_slice %arg6[%dma_wait3A_132, %dma_wait3A_133] : memref<1024x16xf32, #tpu.memory_space<vmem>> -> memref<128x16xf32, #tpu.memory_space<vmem>>
    %dma_wait3A_135 = arith.constant 0 : i32
    %dma_wait3A_136 = tpu.memref_slice %arg5[%dma_wait3A_131, %dma_wait3A_135] : memref<8x128xi32, #tpu.memory_space<vmem>> -> memref<1x128xi32, #tpu.memory_space<vmem>>
    %dma_wait3A_137 = tpu.memref_squeeze %dma_wait3A_136 : memref<1x128xi32, #tpu.memory_space<vmem>> -> memref<128xi32, #tpu.memory_space<vmem>>
    %dma_wait3A_138 = arith.constant 0 : i32
    %dma_wait3A_139 = arith.constant 0 : i32
    %dma_wait3A_140 = tpu.memref_slice %arg3[%dma_wait3A_138, %dma_wait3A_139] : memref<100000x16xf32, #tpu.memory_space<hbm>> -> memref<100000x16xf32, #tpu.memory_space<hbm>>
    tpu.wait_indirect_dma semaphore(%arg7 : memref<!tpu.dma_semaphore, #tpu.memory_space<semaphore_mem>>) src(%dma_wait3A_140 : memref<100000x16xf32, #tpu.memory_space<hbm>>) dst(%dma_wait3A_134 : memref<128x16xf32, #tpu.memory_space<vmem>>)
    %dma_wait3A_141 = arith.constant 6 : i32
    %dma_wait3A_142 = arith.constant 768 : i32
    %dma_wait3A_143 = arith.constant 0 : i32
    %dma_wait3A_144 = tpu.memref_slice %arg6[%dma_wait3A_142, %dma_wait3A_143] : memref<1024x16xf32, #tpu.memory_space<vmem>> -> memref<128x16xf32, #tpu.memory_space<vmem>>
    %dma_wait3A_145 = arith.constant 0 : i32
    %dma_wait3A_146 = tpu.memref_slice %arg5[%dma_wait3A_141, %dma_wait3A_145] : memref<8x128xi32, #tpu.memory_space<vmem>> -> memref<1x128xi32, #tpu.memory_space<vmem>>
    %dma_wait3A_147 = tpu.memref_squeeze %dma_wait3A_146 : memref<1x128xi32, #tpu.memory_space<vmem>> -> memref<128xi32, #tpu.memory_space<vmem>>
    %dma_wait3A_148 = arith.constant 0 : i32
    %dma_wait3A_149 = arith.constant 0 : i32
    %dma_wait3A_150 = tpu.memref_slice %arg3[%dma_wait3A_148, %dma_wait3A_149] : memref<100000x16xf32, #tpu.memory_space<hbm>> -> memref<100000x16xf32, #tpu.memory_space<hbm>>
    tpu.wait_indirect_dma semaphore(%arg7 : memref<!tpu.dma_semaphore, #tpu.memory_space<semaphore_mem>>) src(%dma_wait3A_150 : memref<100000x16xf32, #tpu.memory_space<hbm>>) dst(%dma_wait3A_144 : memref<128x16xf32, #tpu.memory_space<vmem>>)
    %dma_wait3A_151 = arith.constant 7 : i32
    %dma_wait3A_152 = arith.constant 896 : i32
    %dma_wait3A_153 = arith.constant 0 : i32
    %dma_wait3A_154 = tpu.memref_slice %arg6[%dma_wait3A_152, %dma_wait3A_153] : memref<1024x16xf32, #tpu.memory_space<vmem>> -> memref<128x16xf32, #tpu.memory_space<vmem>>
    %dma_wait3A_155 = arith.constant 0 : i32
    %dma_wait3A_156 = tpu.memref_slice %arg5[%dma_wait3A_151, %dma_wait3A_155] : memref<8x128xi32, #tpu.memory_space<vmem>> -> memref<1x128xi32, #tpu.memory_space<vmem>>
    %dma_wait3A_157 = tpu.memref_squeeze %dma_wait3A_156 : memref<1x128xi32, #tpu.memory_space<vmem>> -> memref<128xi32, #tpu.memory_space<vmem>>
    %dma_wait3A_158 = arith.constant 0 : i32
    %dma_wait3A_159 = arith.constant 0 : i32
    %dma_wait3A_160 = tpu.memref_slice %arg3[%dma_wait3A_158, %dma_wait3A_159] : memref<100000x16xf32, #tpu.memory_space<hbm>> -> memref<100000x16xf32, #tpu.memory_space<hbm>>
    tpu.wait_indirect_dma semaphore(%arg7 : memref<!tpu.dma_semaphore, #tpu.memory_space<semaphore_mem>>) src(%dma_wait3A_160 : memref<100000x16xf32, #tpu.memory_space<hbm>>) dst(%dma_wait3A_154 : memref<128x16xf32, #tpu.memory_space<vmem>>)
    %mul3A_161 = arith.constant 1024 : i32
    %mul3A_162 = arith.muli %add3A, %mul3A_161 : i32
    "tpu.region"() ({
      %run_scoped3A = tpu.sem_alloc : memref<!tpu.dma_semaphore, #tpu.memory_space<semaphore_mem>>
      %dma_start3A_163 = arith.constant 0 : i32
      %dma_start3A_164 = tpu.memref_slice %arg4[%mul3A_162, %dma_start3A_163] : memref<32768x16xf32, #tpu.memory_space<hbm>> -> memref<1024x16xf32, #tpu.memory_space<hbm>>
      %dma_start3A_165 = arith.constant 0 : i32
      %dma_start3A_166 = tpu.memref_slice %arg4[%mul3A_162, %dma_start3A_165] : memref<32768x16xf32, #tpu.memory_space<hbm>> -> memref<1024x16xf32, #tpu.memory_space<hbm>>
      tpu.enqueue_dma source(%arg6 : memref<1024x16xf32, #tpu.memory_space<vmem>>) target(%dma_start3A_166 : memref<1024x16xf32, #tpu.memory_space<hbm>>) target_semaphore(%run_scoped3A : memref<!tpu.dma_semaphore, #tpu.memory_space<semaphore_mem>>)
      %dma_wait3A_167 = arith.constant 0 : i32
      %dma_wait3A_168 = tpu.memref_slice %arg4[%mul3A_162, %dma_wait3A_167] : memref<32768x16xf32, #tpu.memory_space<hbm>> -> memref<1024x16xf32, #tpu.memory_space<hbm>>
      %dma_wait3A_169 = arith.constant 0 : i32
      %dma_wait3A_170 = tpu.memref_slice %arg4[%mul3A_162, %dma_wait3A_169] : memref<32768x16xf32, #tpu.memory_space<hbm>> -> memref<1024x16xf32, #tpu.memory_space<hbm>>
      tpu.wait_dma2 semaphore(%run_scoped3A : memref<!tpu.dma_semaphore, #tpu.memory_space<semaphore_mem>>) src(%arg6 : memref<1024x16xf32, #tpu.memory_space<vmem>>) dst(%dma_wait3A_170 : memref<1024x16xf32, #tpu.memory_space<hbm>>)
      tpu.yield
    }) : () -> ()
    return
  }
}

module attributes {stable_mosaic.version = 14 : i64} {
  func.func @_fc1_body(%arg0: memref<1024x512xf32, #tpu.memory_space<vmem>>, %arg1: memref<64x512xf32, #tpu.memory_space<vmem>>, %arg2: memref<1x64xf32, #tpu.memory_space<vmem>>, %arg3: memref<1024x64xf32, #tpu.memory_space<vmem>>) attributes {dimension_semantics = [], scalar_prefetch = 0 : i64, scratch_operands = 0 : i64, tpu.core_type = #tpu.core_type<tc>} {
    %get3A = arith.constant 0 : index
    %get3A_0 = arith.constant 0 : index
    %get3A_1 = vector.load %arg0[%get3A, %get3A_0] : memref<1024x512xf32, #tpu.memory_space<vmem>>, vector<1024x512xf32>
    %get3A_2 = arith.constant 0 : index
    %get3A_3 = arith.constant 0 : index
    %get3A_4 = vector.load %arg1[%get3A_2, %get3A_3] : memref<64x512xf32, #tpu.memory_space<vmem>>, vector<64x512xf32>
    %dot_general3A = arith.constant dense<0.000000e+00> : vector<1024x64xf32>
    %dot_general3A_5 = tpu.matmul %get3A_1, %get3A_4, %dot_general3A {dimension_numbers = #tpu.dot_dimension_numbers<[1], [1], [0], [0], [0, 0, 1, 0], [], []>, transpose_lhs_hint = false} : vector<1024x512xf32>, vector<64x512xf32>, vector<1024x64xf32> -> vector<1024x64xf32>
    %get3A_6 = arith.constant 0 : index
    %get3A_7 = arith.constant 0 : index
    %get3A_8 = vector.load %arg2[%get3A_6, %get3A_7] : memref<1x64xf32, #tpu.memory_space<vmem>>, vector<1x64xf32>
    %add3A = vector.broadcast %get3A_8 : vector<1x64xf32> to vector<1024x64xf32>
    %add3A_9 = arith.addf %dot_general3A_5, %add3A : vector<1024x64xf32>
    %max3A = arith.constant 0.000000e+00 : f32
    %max3A_10 = vector.broadcast %max3A : f32 to vector<1024x64xf32>
    %max3A_11 = arith.maximumf %add3A_9, %max3A_10 : vector<1024x64xf32>
    %swap3A = arith.constant 0 : index
    %swap3A_12 = arith.constant 0 : index
    %swap3A_13 = vector.load %arg3[%swap3A, %swap3A_12] : memref<1024x64xf32, #tpu.memory_space<vmem>>, vector<1024x64xf32>
    tpu.vector_store %arg3[%swap3A, %swap3A_12], %max3A_11 {strides = array<i32>} : memref<1024x64xf32, #tpu.memory_space<vmem>>, vector<1024x64xf32>,
    return
  }
}

module attributes {stable_mosaic.version = 14 : i64} {
  func.func @_fc2_body(%arg0: i32, %arg1: memref<16x64xf32, #tpu.memory_space<vmem>>, %arg2: memref<100000x64xbf16, #tpu.memory_space<any>>, %arg3: memref<1x100000xf32, #tpu.memory_space<any>>, %arg4: memref<1024x100000xf32, #tpu.memory_space<any>>, %arg5: memref<100000x64xbf16, #tpu.memory_space<vmem>>, %arg6: memref<1x100000xf32, #tpu.memory_space<vmem>>, %arg7: memref<16x100000xf32, #tpu.memory_space<vmem>>, %arg8: memref<16x100000xf32, #tpu.memory_space<vmem>>, %arg9: memref<!tpu.dma_semaphore, #tpu.memory_space<semaphore_mem>>, %arg10: memref<!tpu.dma_semaphore, #tpu.memory_space<semaphore_mem>>, %arg11: memref<!tpu.dma_semaphore, #tpu.memory_space<semaphore_mem>>, %arg12: memref<!tpu.dma_semaphore, #tpu.memory_space<semaphore_mem>>) attributes {dimension_semantics = [#tpu.dimension_semantics<arbitrary>], iteration_bounds = array<i64: 64>, scalar_prefetch = 0 : i64, scratch_operands = 8 : i64, tpu.core_type = #tpu.core_type<tc>, window_params = [{transform_indices = @transform_0, window_bounds = array<i64: 16, 64>}, {}, {}, {}]} {
    %rem3A = arith.constant 2 : i32
    %rem3A_0 = arith.remsi %arg0, %rem3A : i32
    %eq3A = arith.constant 0 : i32
    %eq3A_1 = arith.cmpi eq, %arg0, %eq3A : i32
    %convert_element_type3A = arith.extui %eq3A_1 : i1 to i32
    %cond3A = arith.constant 0 : i32
    %cond3A_2 = arith.cmpi ne, %convert_element_type3A, %cond3A : i32
    scf.if %cond3A_2 {
      tpu.enqueue_dma source(%arg2 : memref<100000x64xbf16, #tpu.memory_space<any>>) target(%arg5 : memref<100000x64xbf16, #tpu.memory_space<vmem>>) target_semaphore(%arg9 : memref<!tpu.dma_semaphore, #tpu.memory_space<semaphore_mem>>)
      tpu.enqueue_dma source(%arg3 : memref<1x100000xf32, #tpu.memory_space<any>>) target(%arg6 : memref<1x100000xf32, #tpu.memory_space<vmem>>) target_semaphore(%arg10 : memref<!tpu.dma_semaphore, #tpu.memory_space<semaphore_mem>>)
      tpu.wait_dma2 semaphore(%arg9 : memref<!tpu.dma_semaphore, #tpu.memory_space<semaphore_mem>>) src(%arg2 : memref<100000x64xbf16, #tpu.memory_space<any>>) dst(%arg5 : memref<100000x64xbf16, #tpu.memory_space<vmem>>)
      tpu.wait_dma2 semaphore(%arg10 : memref<!tpu.dma_semaphore, #tpu.memory_space<semaphore_mem>>) src(%arg3 : memref<1x100000xf32, #tpu.memory_space<any>>) dst(%arg6 : memref<1x100000xf32, #tpu.memory_space<vmem>>)
    } else {
    }
    %eq3A_3 = arith.constant 0 : i32
    %eq3A_4 = arith.cmpi eq, %rem3A_0, %eq3A_3 : i32
    %convert_element_type3A_5 = arith.extui %eq3A_4 : i1 to i32
    %cond3A_6 = arith.constant 0 : i32
    %cond3A_7 = arith.cmpi ne, %convert_element_type3A_5, %cond3A_6 : i32
    scf.if %cond3A_7 {
      %ge3A = arith.constant 2 : i32
      %ge3A_18 = arith.cmpi sge, %arg0, %ge3A : i32
      %convert_element_type3A_19 = arith.extui %ge3A_18 : i1 to i32
      %cond3A_20 = arith.constant 0 : i32
      %cond3A_21 = arith.cmpi ne, %convert_element_type3A_19, %cond3A_20 : i32
      scf.if %cond3A_21 {
        %sub3A = arith.constant 2 : i32
        %sub3A_37 = arith.subi %arg0, %sub3A : i32
        %mul3A_38 = arith.constant 16 : i32
        %mul3A_39 = arith.muli %sub3A_37, %mul3A_38 : i32
        %dma_wait3A = arith.constant 0 : i32
        %dma_wait3A_40 = tpu.memref_slice %arg4[%mul3A_39, %dma_wait3A] : memref<1024x100000xf32, #tpu.memory_space<any>> -> memref<16x100000xf32, #tpu.memory_space<any>>
        tpu.wait_dma2 semaphore(%arg11 : memref<!tpu.dma_semaphore, #tpu.memory_space<semaphore_mem>>) src(%arg7 : memref<16x100000xf32, #tpu.memory_space<vmem>>) dst(%dma_wait3A_40 : memref<16x100000xf32, #tpu.memory_space<any>>)
      } else {
      }
      %get3A = arith.constant 0 : index
      %get3A_22 = arith.constant 0 : index
      %get3A_23 = vector.load %arg1[%get3A, %get3A_22] : memref<16x64xf32, #tpu.memory_space<vmem>>, vector<16x64xf32>
      %convert_element_type3A_24 = arith.truncf %get3A_23 : vector<16x64xf32> to vector<16x64xbf16>
      %get3A_25 = arith.constant 0 : index
      %get3A_26 = arith.constant 0 : index
      %get3A_27 = vector.load %arg5[%get3A_25, %get3A_26] : memref<100000x64xbf16, #tpu.memory_space<vmem>>, vector<100000x64xbf16>
      %dot_general3A = arith.constant dense<0.000000e+00> : vector<16x100000xf32>
      %dot_general3A_28 = tpu.matmul %convert_element_type3A_24, %get3A_27, %dot_general3A {dimension_numbers = #tpu.dot_dimension_numbers<[1], [1], [0], [0], [0, 0, 1, 0], [], []>, transpose_lhs_hint = false} : vector<16x64xbf16>, vector<100000x64xbf16>, vector<16x100000xf32> -> vector<16x100000xf32>
      %get3A_29 = arith.constant 0 : index
      %get3A_30 = arith.constant 0 : index
      %get3A_31 = vector.load %arg6[%get3A_29, %get3A_30] : memref<1x100000xf32, #tpu.memory_space<vmem>>, vector<1x100000xf32>
      %add3A = vector.broadcast %get3A_31 : vector<1x100000xf32> to vector<16x100000xf32>
      %add3A_32 = arith.addf %dot_general3A_28, %add3A : vector<16x100000xf32>
      %swap3A = arith.constant 0 : index
      %swap3A_33 = arith.constant 0 : index
      %swap3A_34 = vector.load %arg7[%swap3A, %swap3A_33] : memref<16x100000xf32, #tpu.memory_space<vmem>>, vector<16x100000xf32>
      tpu.vector_store %arg7[%swap3A, %swap3A_33], %add3A_32 {strides = array<i32>} : memref<16x100000xf32, #tpu.memory_space<vmem>>, vector<16x100000xf32>,
      %mul3A = arith.constant 16 : i32
      %mul3A_35 = arith.muli %arg0, %mul3A : i32
      %dma_start3A = arith.constant 0 : i32
      %dma_start3A_36 = tpu.memref_slice %arg4[%mul3A_35, %dma_start3A] : memref<1024x100000xf32, #tpu.memory_space<any>> -> memref<16x100000xf32, #tpu.memory_space<any>>
      tpu.enqueue_dma source(%arg7 : memref<16x100000xf32, #tpu.memory_space<vmem>>) target(%dma_start3A_36 : memref<16x100000xf32, #tpu.memory_space<any>>) target_semaphore(%arg11 : memref<!tpu.dma_semaphore, #tpu.memory_space<semaphore_mem>>)
    } else {
    }
    %eq3A_8 = arith.constant 1 : i32
    %eq3A_9 = arith.cmpi eq, %rem3A_0, %eq3A_8 : i32
    %convert_element_type3A_10 = arith.extui %eq3A_9 : i1 to i32
    %cond3A_11 = arith.constant 0 : i32
    %cond3A_12 = arith.cmpi ne, %convert_element_type3A_10, %cond3A_11 : i32
    scf.if %cond3A_12 {
      %ge3A = arith.constant 2 : i32
      %ge3A_18 = arith.cmpi sge, %arg0, %ge3A : i32
      %convert_element_type3A_19 = arith.extui %ge3A_18 : i1 to i32
      %cond3A_20 = arith.constant 0 : i32
      %cond3A_21 = arith.cmpi ne, %convert_element_type3A_19, %cond3A_20 : i32
      scf.if %cond3A_21 {
        %sub3A = arith.constant 2 : i32
        %sub3A_37 = arith.subi %arg0, %sub3A : i32
        %mul3A_38 = arith.constant 16 : i32
        %mul3A_39 = arith.muli %sub3A_37, %mul3A_38 : i32
        %dma_wait3A = arith.constant 0 : i32
        %dma_wait3A_40 = tpu.memref_slice %arg4[%mul3A_39, %dma_wait3A] : memref<1024x100000xf32, #tpu.memory_space<any>> -> memref<16x100000xf32, #tpu.memory_space<any>>
        tpu.wait_dma2 semaphore(%arg12 : memref<!tpu.dma_semaphore, #tpu.memory_space<semaphore_mem>>) src(%arg8 : memref<16x100000xf32, #tpu.memory_space<vmem>>) dst(%dma_wait3A_40 : memref<16x100000xf32, #tpu.memory_space<any>>)
      } else {
      }
      %get3A = arith.constant 0 : index
      %get3A_22 = arith.constant 0 : index
      %get3A_23 = vector.load %arg1[%get3A, %get3A_22] : memref<16x64xf32, #tpu.memory_space<vmem>>, vector<16x64xf32>
      %convert_element_type3A_24 = arith.truncf %get3A_23 : vector<16x64xf32> to vector<16x64xbf16>
      %get3A_25 = arith.constant 0 : index
      %get3A_26 = arith.constant 0 : index
      %get3A_27 = vector.load %arg5[%get3A_25, %get3A_26] : memref<100000x64xbf16, #tpu.memory_space<vmem>>, vector<100000x64xbf16>
      %dot_general3A = arith.constant dense<0.000000e+00> : vector<16x100000xf32>
      %dot_general3A_28 = tpu.matmul %convert_element_type3A_24, %get3A_27, %dot_general3A {dimension_numbers = #tpu.dot_dimension_numbers<[1], [1], [0], [0], [0, 0, 1, 0], [], []>, transpose_lhs_hint = false} : vector<16x64xbf16>, vector<100000x64xbf16>, vector<16x100000xf32> -> vector<16x100000xf32>
      %get3A_29 = arith.constant 0 : index
      %get3A_30 = arith.constant 0 : index
      %get3A_31 = vector.load %arg6[%get3A_29, %get3A_30] : memref<1x100000xf32, #tpu.memory_space<vmem>>, vector<1x100000xf32>
      %add3A = vector.broadcast %get3A_31 : vector<1x100000xf32> to vector<16x100000xf32>
      %add3A_32 = arith.addf %dot_general3A_28, %add3A : vector<16x100000xf32>
      %swap3A = arith.constant 0 : index
      %swap3A_33 = arith.constant 0 : index
      %swap3A_34 = vector.load %arg8[%swap3A, %swap3A_33] : memref<16x100000xf32, #tpu.memory_space<vmem>>, vector<16x100000xf32>
      tpu.vector_store %arg8[%swap3A, %swap3A_33], %add3A_32 {strides = array<i32>} : memref<16x100000xf32, #tpu.memory_space<vmem>>, vector<16x100000xf32>,
      %mul3A = arith.constant 16 : i32
      %mul3A_35 = arith.muli %arg0, %mul3A : i32
      %dma_start3A = arith.constant 0 : i32
      %dma_start3A_36 = tpu.memref_slice %arg4[%mul3A_35, %dma_start3A] : memref<1024x100000xf32, #tpu.memory_space<any>> -> memref<16x100000xf32, #tpu.memory_space<any>>
      tpu.enqueue_dma source(%arg8 : memref<16x100000xf32, #tpu.memory_space<vmem>>) target(%dma_start3A_36 : memref<16x100000xf32, #tpu.memory_space<any>>) target_semaphore(%arg12 : memref<!tpu.dma_semaphore, #tpu.memory_space<semaphore_mem>>)
    } else {
    }
    %eq3A_13 = arith.constant 63 : i32
    %eq3A_14 = arith.cmpi eq, %arg0, %eq3A_13 : i32
    %convert_element_type3A_15 = arith.extui %eq3A_14 : i1 to i32
    %cond3A_16 = arith.constant 0 : i32
    %cond3A_17 = arith.cmpi ne, %convert_element_type3A_15, %cond3A_16 : i32
    scf.if %cond3A_17 {
      %dma_wait3A = arith.constant 992 : i32
      %dma_wait3A_18 = arith.constant 0 : i32
      %dma_wait3A_19 = tpu.memref_slice %arg4[%dma_wait3A, %dma_wait3A_18] : memref<1024x100000xf32, #tpu.memory_space<any>> -> memref<16x100000xf32, #tpu.memory_space<any>>
      tpu.wait_dma2 semaphore(%arg11 : memref<!tpu.dma_semaphore, #tpu.memory_space<semaphore_mem>>) src(%arg7 : memref<16x100000xf32, #tpu.memory_space<vmem>>) dst(%dma_wait3A_19 : memref<16x100000xf32, #tpu.memory_space<any>>)
      %dma_wait3A_20 = arith.constant 1008 : i32
      %dma_wait3A_21 = arith.constant 0 : i32
      %dma_wait3A_22 = tpu.memref_slice %arg4[%dma_wait3A_20, %dma_wait3A_21] : memref<1024x100000xf32, #tpu.memory_space<any>> -> memref<16x100000xf32, #tpu.memory_space<any>>
      tpu.wait_dma2 semaphore(%arg12 : memref<!tpu.dma_semaphore, #tpu.memory_space<semaphore_mem>>) src(%arg8 : memref<16x100000xf32, #tpu.memory_space<vmem>>) dst(%dma_wait3A_22 : memref<16x100000xf32, #tpu.memory_space<any>>)
    } else {
    }
    return
  }
  func.func @transform_0(%arg0: i32) -> (i32, i32) {
    %c0_i32 = arith.constant 0 : i32
    %c0_i32_0 = arith.constant 0 : i32
    return %arg0, %c0_i32 : i32, i32
  }
}

</mosaic_0001>

<sc_bundles>
// kernel: kernel.5.cloned.1.call-start
scs
__scs_entry_jumppad:
0x0: {  	(pc) =	sbr.rel $0x88, $3  }
0x1: {  	(tag) =	ssettag $0x0;
	lr =	simm.s32 $0x1  }
0x2: {  	[smem:$0x3F9B] =	sst lr;
	_ =	strace $0xD0000000  }
0x3: {  	_ = 	snop  }
0x4: {  	_ = 	snop  }
0x5: {  	_ = 	snop  }
0x6: {  	_ = 	snop  }
0x7: {  	_ = 	snop  }
__scs_overlays_trampoline_lowered:
0x8: {  	[smem:$0x3FAA] =	sst s0  }
0x9: {  	[smem:$0x3FAB] =	sst s1  }
0xa: {  	[smem:$0x3FAC] =	sst s2  }
0xb: {  	[smem:$0x3FAD] =	sst s3  }
0xc: {  	[smem:$0x3FAE] =	sst s4  }
0xd: {  	[smem:$0x3FAF] =	sst s5  }
0xe: {  	[smem:$0x3FB0] =	sst s6  }
0xf: {  	[smem:$0x3FB1] =	sst s7  }
0x10: {  	[smem:$0x3FB2] =	sst s8  }
0x11: {  	[smem:$0x3FB3] =	sst s9;
	s0 =	simm.s32 @!p0 $0x0  }
0x12: {  	s1 =	sld [smem:$0x3F99];
	s0 =	simm.s32 @p0 $0x1  }
0x13: {  	[smem:$0x3FB4] =	sst s0;
	s0 =	simm.s32 @!p1 $0x0  }
0x14: {  	s2 =	sld [smem:$0x3F98];
	s0 =	simm.s32 @p1 $0x1  }
0x15: {  	[smem:$0x3FB5] =	sst s0;
	s0 =	simm.s32 @!p2 $0x0  }
0x16: {  	s3 =	sld [smem:$0x3FDB];
	s0 =	simm.s32 @p2 $0x1  }
0x17: {  	s4 =	simm.s32 $0x1BF5;
	[smem:$0x3FB7] =	sst s0  }
0x18: {  	s0 =	sld [smem:$0x3F9A];
	_ =	swait.ge [sflag:s4], $0x0  }
0x19: {  	s7 =	sld [smem:$0x3F9B]  }
0x1a: {  	s8 =	sadd.s32 $0xFFFFE003, lr  }
0x1b: {  	s9 =	sadd.s32 $0xFFFFFEF7, lr;
	s5 =	simm.s32 $0xFFFFFFFF;
	p2 =	slt.u32 s8, $0xFFFFF086  }
0x1c: {  	p1 =	slt.u32 s9, $0xF7A;
	s5 =	simm.s32 @!p2 $0x0  }
0x1d: {  	s5 =	simm.s32 @p1 $0x1;
	p0 =	seq.s32 s7, s2  }
0x1e: {  	s7 =	smul.u32 @!p0 $0xF7A, s2;
	p2 =	seq.s32 @!p0 s5, $0x0  }
0x1f: {  	s9 =	smul.u32 $0xF7A, s1;
	s8 =	simm.s32 @!p0 $0x1BF5;
	p2 =	por !p2, p0  }
0x20: {  	[sflag:s8] =	ssyncset.s32 @!p0 $0xFFFFF086;
	s6 =	sadd.s32 @!p0 s3, s7;
	s7 =	simm.s32 @!p0 $0x108  }
0x21: {  	s3 =	sadd.s32 s3, s9;
	s6 =	sadd.s32 @!p0 $0x88, s6;
	s7 =	simm.s32 @p2 $0x1082  }
0x22: {  	[simem:s7], [sflag:s8] =	dma.local @!p0 [hbm:s6], $0xF7A  }
0x23: {  	s9 =	sor.u32 $0xD0000000, s2;
	s6 =	simm.s32 $0x108;
	_ =	swait.ge @!p0 [sflag:s8], $0x0  }
0x24: {  	s3 =	sadd.s32 $0x88, s3;
	s6 =	simm.s32 @!p1 $0x1082;
	[sflag:s4] =	ssyncset.s32 $0xFFFFF086  }
0x25: {  	[simem:s6], [sflag:s4] =	dma.local [hbm:s3], $0xF7A  }
0x26: {  	[smem:$0x3F9B] =	sst s1;
	(tag) =	ssettag s2;
	_ =	strace s9  }
0x27: {  	s1 =	sld [smem:$0x3FAB]  }
0x28: {  	s2 =	sld [smem:$0x3FAC]  }
0x29: {  	s4 =	sld [smem:$0x3FAE]  }
0x2a: {  	p0 =	seq.s32 s5, $0x0;
	s5 =	sld [smem:$0x3FAF]  }
0x2b: {  	s6 =	sld [smem:$0x3FB0]  }
0x2c: {  	s7 =	sld [smem:$0x3FB1]  }
0x2d: {  	s3 =	simm.s32 $0x108;
	s8 =	sld [smem:$0x3FB2]  }
0x2e: {  	s3 =	simm.s32 @!p0 $0x1082;
	s9 =	sld [smem:$0x3FB3]  }
0x2f: {  	lr =	sadd.s32 s0, s3;
	s0 =	sld [smem:$0x3FAA]  }
0x30: {  	s3 =	sld [smem:$0x3FAD]  }
0x31: {  	[smem:$0x3FB6] =	sst s10  }
0x32: {  	s10 =	sld [smem:$0x3FB4];
	_ =	sdelay $0x3  }
0x33: {  	p0 =	seq.s32 s10, $0x1;
	s10 =	sld [smem:$0x3FB6];
	_ =	sdelay $0x3  }
0x34: {  	[smem:$0x3FB6] =	sst s10  }
0x35: {  	s10 =	sld [smem:$0x3FB5];
	_ =	sdelay $0x3  }
0x36: {  	p1 =	seq.s32 s10, $0x1;
	s10 =	sld [smem:$0x3FB6];
	_ =	sdelay $0x3  }
0x37: {  	[smem:$0x3FB6] =	sst s10  }
0x38: {  	s10 =	sld [smem:$0x3FB7]  }
0x39: {  	_ = 	snop;
	(pc) =	sbr.ind lr, $3  }
0x3a: {  	_ = 	snop  }
0x3b: {  	_ = 	snop  }
0x3c: {  	p2 =	seq.s32 s10, $0x1;
	s10 =	sld [smem:$0x3FB6]  }
0x3d: {  	_ =	shalt  }
0x3e: {  	_ =	shalt  }
0x3f: {  	_ =	shalt  }
0x40: {  	_ =	shalt  }
0x41: {  	_ =	shalt  }
0x42: {  	_ =	shalt  }
0x43: {  	_ =	shalt  }
0x44: {  	_ =	shalt  }
0x45: {  	_ =	shalt  }
0x46: {  	_ =	shalt  }
0x47: {  	_ =	shalt  }
0x48: {  	_ =	shalt  }
0x49: {  	_ =	shalt  }
0x4a: {  	_ =	shalt  }
0x4b: {  	_ =	shalt  }
0x4c: {  	_ =	shalt  }
0x4d: {  	_ =	shalt  }
0x4e: {  	_ =	shalt  }
0x4f: {  	_ =	shalt  }
0x50: {  	_ =	shalt  }
0x51: {  	_ =	shalt  }
0x52: {  	_ =	shalt  }
0x53: {  	_ =	shalt  }
0x54: {  	_ =	shalt  }
0x55: {  	_ =	shalt  }
0x56: {  	_ =	shalt  }
0x57: {  	_ =	shalt  }
0x58: {  	_ =	shalt  }
0x59: {  	_ =	shalt  }
0x5a: {  	_ =	shalt  }
0x5b: {  	_ =	shalt  }
0x5c: {  	_ =	shalt  }
0x5d: {  	_ =	shalt  }
0x5e: {  	_ =	shalt  }
0x5f: {  	_ =	shalt  }
0x60: {  	_ =	shalt  }
0x61: {  	_ =	shalt  }
0x62: {  	_ =	shalt  }
0x63: {  	_ =	shalt  }
0x64: {  	_ =	shalt  }
0x65: {  	_ =	shalt  }
0x66: {  	_ =	shalt  }
0x67: {  	_ =	shalt  }
0x68: {  	_ =	shalt  }
0x69: {  	_ =	shalt  }
0x6a: {  	_ =	shalt  }
0x6b: {  	_ =	shalt  }
0x6c: {  	_ =	shalt  }
0x6d: {  	_ =	shalt  }
0x6e: {  	_ =	shalt  }
0x6f: {  	_ =	shalt  }
0x70: {  	_ =	shalt  }
0x71: {  	_ =	shalt  }
0x72: {  	_ =	shalt  }
0x73: {  	_ =	shalt  }
0x74: {  	_ =	shalt  }
0x75: {  	_ =	shalt  }
0x76: {  	_ =	shalt  }
0x77: {  	_ =	shalt  }
0x78: {  	_ =	shalt  }
0x79: {  	_ =	shalt  }
0x7a: {  	_ =	shalt  }
0x7b: {  	_ =	shalt  }
0x7c: {  	_ =	shalt  }
0x7d: {  	_ =	shalt  }
0x7e: {  	_ =	shalt  }
0x7f: {  	_ =	shalt  }
0x80: {  	_ =	shalt  }
0x81: {  	_ =	shalt  }
0x82: {  	_ =	shalt  }
0x83: {  	_ =	shalt  }
0x84: {  	_ =	shalt  }
0x85: {  	_ =	shalt  }
0x86: {  	_ =	shalt  }
0x87: {  	_ =	shalt  }
.Lfunc_end0:
.L_simem_size_0:
called_computation_lowered:
.L_overlay_start_0:
0x88: {  	s2 =	sld [smem:$0x3FD9]  }
0x89: {  	s3 =	sld [smem:$0x3FFE];
	_ =	sdelay $0x1  }
0x8a: {  	s1 =	srdreg.scid  }
0x8b: {  	s0 =	sand.u32 $0x1, s1  }
0x8c: {  	s16 =	sshll.u32 s0, $0xA;
	s2 =	sadd.s32 s3, s2  }
0x8d: {  	s2 =	sadd.s32 s2, s16  }
0x8e: {  	[smem:$0x3FC2] =	sst s2  }
0x8f: {  	_ = 	snop  }
0x90: {  	(tm) =	ssettm $0x1  }
0x91: {  	s17 =	sld [smem:$0x3FFB];
	_ =	sdelay $0x3  }
0x92: {  	_ =	strace s17  }
0x93: {  	s2 =	sld [smem:$0x3FFC];
	_ =	sdelay $0x3  }
0x94: {  	_ =	strace s2  }
0x95: {  	s2 =	sld [smem:$0x3FFD];
	_ =	sdelay $0x3  }
0x96: {  	_ =	strace s2  }
0x97: {  	_ =	strace $0x8FFFFFFF  }
0x98: {  	s18 =	sld [smem:$0x3FDB];
	_ =	sdelay $0x1  }
0x99: {  	s19 =	simm.s32 $_scs_section_size  }
0x9a: {  	s4 =	simm.s32 $_size__tile_overlayer_lowered;
	s5 =	simm.s32 $_tile_overlayer_lowered  }
0x9b: {  	s22 =	simm.s32 $0x1BFF;
	s21 =	sshll.u32 s5, $0x1;
	s2 =	sadd.s32 s19, s18  }
0x9c: {  	s6 =	simm.s32 $0x0;
	s20 =	sshll.u32 s4, $0x1;
	s4 =	sadd.s32 s21, s2  }
0x9d: {  	[timem:s6], [sflag:s22] =	dma.local [hbm:s4], s20  }
0x9e: {  	_ =	swait.ge [sflag:s22], s20  }
0x9f: {  	s3 =	ssub.s32 $0x0, s20;
	[sflag:s22] =	ssyncset.done $0x0  }
0xa0: {  	[sflag:s22] =	ssyncadd.s32 s3;
	_ =	sdelay $0x1  }
0xa1: {  	s23 =	simm.s32 $0x1B8B  }
0xa2: {  	_ =	swait.ge [sflag:s23], $0x1  }
0xa3: {  	[sflag:s23] =	ssyncset.done $0x0  }
0xa4: {  	s25 =	simm.s32 $0x1B8E;
	s24 =	sld [smem:$0x3FFE];
	[sflag:s23] =	ssyncadd.s32 $0xFFFFFFFF  }
0xa5: {  	s26 =	simm.s32 $execute0_lowered;
	[smem:$0x3FD2] =	sst s25  }
0xa6: {  	s4 =	sshll.u32 s26, $0x1;
	_ =	strace $0x80000046;
	[dreg:$0x1] =	wrdreg $0xFFFFFFFF  }
0xa7: {  	s28 =	simm.s32 $_size_execute0_lowered;
	s2 =	sadd.s32 s2, s4;
	[dreg:$0x0] =	wrdreg $0x0  }
0xa8: {  	s4 =	sshll.u32 s28, $0x1;
	[dreg:$0x2] =	wrdreg s2  }
0xa9: {  	[dreg:$0x3] =	wrdreg s4  }
0xaa: {  	[dreg:$0x4] =	wrdreg $0xC0  }
0xab: {  	_ =	task [dreg:s6], $0x5FFFF  }
0xac: {  	[dreg:$0x1] =	wrdreg $0xFFFFFFFF  }
0xad: {  	[dreg:$0x0] =	wrdreg $0x60  }
0xae: {  	[dreg:$0x2] =	wrdreg s24  }
0xaf: {  	[dreg:$0x3] =	wrdreg $0x9  }
0xb0: {  	_ =	task.clear_ibuf [dreg:s6], $0x4FFFF;
	_ =	strace $0x90000046  }
0xb1: {  	s29 =	simm.s32 $0x9;
	_ =	strace $0x80000048  }
0xb2: {  	_ =	swait.ge [sflag:s29], $0x1  }
0xb3: {  	[sflag:s29] =	ssyncadd.s32 $0xFFFFFFFF  }
0xb4: {  	_ =	strace $0x90000048  }
0xb5: {  	_ =	sfence  }
0xb6: {  	s30 =	sld [smem:$0x0];
	_ =	sdelay $0x2  }
0xb7: {  	s31 =	sshll.u32 s1, $0xD;
	s1 =	sshrl.u32 s1, $0x2  }
0xb8: {  	s3 =	sand.u32 $0x4000, s31;
	s1 =	sadd.s32 s1, s30  }
0xb9: {  	s0 =	sor.u32 s3, s0;
	s1 =	sshll.u32 s1, $0x11  }
0xba: {  	s0 =	sor.u32 s1, s0  }
0xbb: {  	s0 =	sadd.s32 $0x8F2B, s0  }
0xbc: {  	[sflag:s0] =	ssyncadd.remote.s32 $0x1  }
0xbd: {  	_ =	sfence.sel $0xFFFF  }
0xbe: {  	[dreg:$0x0] =	wrdreg $0xFFFFFFFF;
	(pc) =	sbr.abs _section_cstart, $3  }
0xbf: {  	[dreg:$0x1] =	wrdreg $0xFFFFFFFF  }
0xc0: {  	_ =	task.clear_ibuf [dreg:s6], $0x2FFFF;
	_ =	strace $0x9FFFFFFF  }
0xc1: {  	(tm) =	ssettm $0x7FFFFFFF  }
tec
execute0_lowered:
.L_overlay_start_1:
0x0: {  	(tag) =	ssettag $0x1  }
0x1: {  	s1 =	srdreg.scid;
	s0 =	stileid.u32  }
0x2: {  	s23 =	sand.u32 $0x1, s1;
	s31 =	sshll.u32 s0, $0x1  }
0x3: {  	s22 =	rddreg [dreg:$0x0];
	s24 =	sor.u32 s23, s31  }
0x4: {  	s2 =	simm.s32 $0x0;
	s1 =	rddreg [dreg:$0x1];
	s3 =	sshll.u32 s24, $0x7  }
0x5: {  	[smem:$0x7FF] =	sst s2;
	s3 =	sadd.s32 s3, s22  }
0x6: {  	_ =	strace $0x80000047;
	s4 =	sadd.s32 $0xC00, s3;
	s3 =	simm.s32 $0x2  }
0x7: {  	[tilespmem:s2], [sflag:$0x2] =	stream.linear.gather [hbm4b:s4+s2], $0x400, $0x38;
	[tilespmem:$0x4400] =	vst v63  }
0x8: {  	_ =	swait.ge [sflag:s3], $0x400  }
0x9: {  	s6 =	simm.s32 $0x80;
	[sflag:s3] =	ssyncset.done $0x0  }
0xa: {  	s7 =	simm.s32 $0x400;
	s5 =	sadd.s32 $0x188600, s22;
	[sflag:s3] =	ssyncadd.s32 $0xFFFFFC00  }
0xb: {  	[tilespmem:s7], [sflag:$0x1] =	stream.indirect.gather [hbm4b:s5+s6], $0x10, s2, s6, $0xb8;
	[tilespmem:$0x4400] =	vst v63  }
0xc: {  	s8 =	simm.s32 $0xC00  }
0xd: {  	[tilespmem:s8], [sflag:$0x1] =	stream.indirect.gather [hbm4b:s5+s6], $0x10, s6, s6, $0xb8;
	[tilespmem:$0x4400] =	vst v63  }
0xe: {  	s9 =	simm.s32 $0x100;
	s10 =	simm.s32 $0x1400  }
0xf: {  	[tilespmem:s10], [sflag:$0x1] =	stream.indirect.gather [hbm4b:s5+s6], $0x10, s9, s6, $0xb8;
	[tilespmem:$0x4400] =	vst v63  }
0x10: {  	s11 =	simm.s32 $0x180;
	s12 =	simm.s32 $0x1C00  }
0x11: {  	[tilespmem:s12], [sflag:$0x1] =	stream.indirect.gather [hbm4b:s5+s6], $0x10, s11, s6, $0xb8;
	[tilespmem:$0x4400] =	vst v63  }
0x12: {  	s13 =	simm.s32 $0x200;
	s14 =	simm.s32 $0x2400  }
0x13: {  	[tilespmem:s14], [sflag:$0x1] =	stream.indirect.gather [hbm4b:s5+s6], $0x10, s13, s6, $0xb8;
	[tilespmem:$0x4400] =	vst v63  }
0x14: {  	s15 =	simm.s32 $0x280;
	s16 =	simm.s32 $0x2C00  }
0x15: {  	[tilespmem:s16], [sflag:$0x1] =	stream.indirect.gather [hbm4b:s5+s6], $0x10, s15, s6, $0xb8;
	[tilespmem:$0x4400] =	vst v63  }
0x16: {  	s17 =	simm.s32 $0x300;
	s18 =	simm.s32 $0x3400  }
0x17: {  	[tilespmem:s18], [sflag:$0x1] =	stream.indirect.gather [hbm4b:s5+s6], $0x10, s17, s6, $0xb8;
	[tilespmem:$0x4400] =	vst v63  }
0x18: {  	s19 =	simm.s32 $0x380;
	s20 =	simm.s32 $0x3C00;
	s21 =	simm.s32 $0x1  }
0x19: {  	[tilespmem:s20], [sflag:$0x1] =	stream.indirect.gather [hbm4b:s5+s6], $0x10, s19, s6, $0xb8;
	[tilespmem:$0x4400] =	vst v63  }
0x1a: {  	_ =	swait.ge [sflag:s21], $0x800  }
0x1b: {  	[sflag:s21] =	ssyncset.done $0x0  }
0x1c: {  	[sflag:s21] =	ssyncadd.s32 $0xFFFFF800  }
0x1d: {  	_ =	swait.ge [sflag:s21], $0x800  }
0x1e: {  	[sflag:s21] =	ssyncset.done $0x0  }
0x1f: {  	[sflag:s21] =	ssyncadd.s32 $0xFFFFF800  }
0x20: {  	_ =	swait.ge [sflag:s21], $0x800  }
0x21: {  	[sflag:s21] =	ssyncset.done $0x0  }
0x22: {  	[sflag:s21] =	ssyncadd.s32 $0xFFFFF800  }
0x23: {  	_ =	swait.ge [sflag:s21], $0x800  }
0x24: {  	[sflag:s21] =	ssyncset.done $0x0  }
0x25: {  	[sflag:s21] =	ssyncadd.s32 $0xFFFFF800  }
0x26: {  	_ =	swait.ge [sflag:s21], $0x800  }
0x27: {  	[sflag:s21] =	ssyncset.done $0x0  }
0x28: {  	[sflag:s21] =	ssyncadd.s32 $0xFFFFF800  }
0x29: {  	_ =	swait.ge [sflag:s21], $0x800  }
0x2a: {  	[sflag:s21] =	ssyncset.done $0x0  }
0x2b: {  	s23 =	ssub.s32 $0x2, s23;
	[sflag:s21] =	ssyncadd.s32 $0xFFFFF800  }
0x2c: {  	s25 =	sshrl.u32 s23, $0x1;
	_ =	swait.ge [sflag:s21], $0x800  }
0x2d: {  	s23 =	ssub.s32 s23, s25;
	[sflag:s21] =	ssyncset.done $0x0  }
0x2e: {  	s23 =	smax.u32 s23, $0x1;
	[sflag:s21] =	ssyncadd.s32 $0xFFFFF800  }
0x2f: {  	s24 =	sshll.u32 s24, $0xB;
	p0 =	sne.s32 s23, $0x1;
	_ =	swait.ge [sflag:s21], $0x800  }
.Ltmp0:
0x30: {  	s22 =	sadd.s32 s24, s22;
	[sflag:s21] =	ssyncset.done $0x0;
	(pc) =	sbr.rel @!p0 .LBB2_2-.Ltmp0, $4  }
0x31: {  	s22 =	sadd.s32 $0x1C00, s22;
	[sflag:s21] =	ssyncadd.s32 $0xFFFFF800  }
0x32: {  	[hbm4b:s22+s2] =	stream.linear.scatter [tilespmem:s7], [sflag:$0x2], $0x4000, $0x38;
	[tilespmem:$0x4400] =	vst v63  }
0x33: {  	_ =	swait.ge [sflag:s3], $0x4000  }
0x34: {  	s23 =	sadd.s32 $0xFFFFFFFF, s23;
	[sflag:s3] =	ssyncset.done $0x0  }
.LBB2_1:
0x35: {  	p0 =	sne.s32 s23, $0x1;
	s23 =	sadd.s32 $0xFFFFFFFF, s23;
	[sflag:s3] =	ssyncadd.s32 $0xFFFFC000  }
0x36: {  	[tilespmem:s2], [sflag:$0x2] =	stream.linear.gather [hbm4b:s4+s2], $0x400, $0x38;
	[tilespmem:$0x4400] =	vst v63  }
0x37: {  	_ =	swait.ge [sflag:s3], $0x400  }
0x38: {  	[sflag:s3] =	ssyncset.done $0x0  }
0x39: {  	[sflag:s3] =	ssyncadd.s32 $0xFFFFFC00  }
0x3a: {  	[tilespmem:s7], [sflag:$0x1] =	stream.indirect.gather [hbm4b:s5+s6], $0x10, s2, s6, $0xb8;
	[tilespmem:$0x4400] =	vst v63  }
0x3b: {  	_ = 	snop  }
0x3c: {  	[tilespmem:s8], [sflag:$0x1] =	stream.indirect.gather [hbm4b:s5+s6], $0x10, s6, s6, $0xb8;
	[tilespmem:$0x4400] =	vst v63  }
0x3d: {  	_ = 	snop  }
0x3e: {  	[tilespmem:s10], [sflag:$0x1] =	stream.indirect.gather [hbm4b:s5+s6], $0x10, s9, s6, $0xb8;
	[tilespmem:$0x4400] =	vst v63  }
0x3f: {  	_ = 	snop  }
0x40: {  	[tilespmem:s12], [sflag:$0x1] =	stream.indirect.gather [hbm4b:s5+s6], $0x10, s11, s6, $0xb8;
	[tilespmem:$0x4400] =	vst v63  }
0x41: {  	_ = 	snop  }
0x42: {  	[tilespmem:s14], [sflag:$0x1] =	stream.indirect.gather [hbm4b:s5+s6], $0x10, s13, s6, $0xb8;
	[tilespmem:$0x4400] =	vst v63  }
0x43: {  	_ = 	snop  }
0x44: {  	[tilespmem:s16], [sflag:$0x1] =	stream.indirect.gather [hbm4b:s5+s6], $0x10, s15, s6, $0xb8;
	[tilespmem:$0x4400] =	vst v63  }
0x45: {  	_ = 	snop  }
0x46: {  	[tilespmem:s18], [sflag:$0x1] =	stream.indirect.gather [hbm4b:s5+s6], $0x10, s17, s6, $0xb8;
	[tilespmem:$0x4400] =	vst v63  }
0x47: {  	_ = 	snop  }
0x48: {  	[tilespmem:s20], [sflag:$0x1] =	stream.indirect.gather [hbm4b:s5+s6], $0x10, s19, s6, $0xb8;
	[tilespmem:$0x4400] =	vst v63  }
0x49: {  	_ =	swait.ge [sflag:s21], $0x800  }
0x4a: {  	[sflag:s21] =	ssyncset.done $0x0  }
0x4b: {  	[sflag:s21] =	ssyncadd.s32 $0xFFFFF800  }
0x4c: {  	_ =	swait.ge [sflag:s21], $0x800  }
0x4d: {  	[sflag:s21] =	ssyncset.done $0x0  }
0x4e: {  	[sflag:s21] =	ssyncadd.s32 $0xFFFFF800  }
0x4f: {  	_ =	swait.ge [sflag:s21], $0x800  }
0x50: {  	[sflag:s21] =	ssyncset.done $0x0  }
0x51: {  	[sflag:s21] =	ssyncadd.s32 $0xFFFFF800  }
0x52: {  	_ =	swait.ge [sflag:s21], $0x800  }
0x53: {  	[sflag:s21] =	ssyncset.done $0x0  }
0x54: {  	[sflag:s21] =	ssyncadd.s32 $0xFFFFF800  }
0x55: {  	_ =	swait.ge [sflag:s21], $0x800  }
0x56: {  	[sflag:s21] =	ssyncset.done $0x0  }
0x57: {  	[sflag:s21] =	ssyncadd.s32 $0xFFFFF800  }
0x58: {  	_ =	swait.ge [sflag:s21], $0x800  }
0x59: {  	[sflag:s21] =	ssyncset.done $0x0  }
0x5a: {  	[sflag:s21] =	ssyncadd.s32 $0xFFFFF800  }
0x5b: {  	_ =	swait.ge [sflag:s21], $0x800  }
0x5c: {  	[sflag:s21] =	ssyncset.done $0x0  }
0x5d: {  	[sflag:s21] =	ssyncadd.s32 $0xFFFFF800  }
0x5e: {  	_ =	swait.ge [sflag:s21], $0x800  }
.Ltmp1:
0x5f: {  	[sflag:s21] =	ssyncset.done $0x0;
	(pc) =	sbr.rel @p0 .LBB2_1-.Ltmp1, $4  }
0x60: {  	[sflag:s21] =	ssyncadd.s32 $0xFFFFF800  }
0x61: {  	[hbm4b:s22+s2] =	stream.linear.scatter [tilespmem:s7], [sflag:$0x2], $0x4000, $0x38;
	[tilespmem:$0x4400] =	vst v63  }
0x62: {  	_ =	swait.ge [sflag:s3], $0x4000  }
0x63: {  	[sflag:s3] =	ssyncset.done $0x0  }
.LBB2_2:
0x64: {  	[sflag:s3] =	ssyncadd.s32 $0xFFFFC000  }
0x65: {  	_ =	sfence.sel $0x180000  }
0x66: {  	[bflag:$0x0] =	sbarrier.arrive $0xFFFF  }
0x67: {  	p0 =	sne.s32 s0, $0x0;
	_ =	strace $0x90000047  }
0x68: {  	s0 =	sadd.s32 @!p0 $0x100000, s1;
	[bflag:$0x2] =	sbarrier.arrive $0xFFFF  }
0x69: {  	[sflag:s0] =	ssyncadd.tile.s32 @!p0 $0x1;
	_ =	shalt  }
.Lfunc_end2:
_tile_overlayer_lowered:
.L_overlay_start_2:
0x6a: {  	(tag) =	ssettag $0x2  }
0x6b: {  	s0 =	rddreg [dreg:$0x0];
	s2 =	stileid.u32  }
0x6c: {  	s1 =	rddreg [dreg:$0x1];
	p0 =	sne.s32 s2, $0x0  }
0x6d: {  	s3 =	rddreg [dreg:$0x2];
	[bflag:$0x3] =	sbarrier.arrive $0xFFFF;
	s2 =	simm.s32 @!p0 $0x1C02  }
0x6e: {  	[timem:s3], [sflag:s2] =	dma.local @!p0 [hbm:s0], s1  }
0x6f: {  	s0 =	simm.s32 @!p0 $0x2  }
0x70: {  	_ =	swait.ge @!p0 [sflag:s0], s1  }
0x71: {  	s1 =	ssub.s32 @!p0 $0x0, s1;
	[sflag:s0] =	ssyncset.done @!p0 $0x0  }
0x72: {  	[sflag:s0] =	ssyncadd.s32 @!p0 s1  }
0x73: {  	[bflag:$0x3] =	sbarrier.arrive $0xFFFF  }
0x74: {  	_ =	shalt  }

</sc_bundles>
